<compile_context>
chip_gen: v7x
topology: tpu7x:2x2x1
jax: 0.10.2.dev20260603
libtpu: 0.0.44.dev20260713+nightly
codegen_flags: <defaults>
</compile_context>

<pallas_src>
import functools

import jax
import jax.numpy as jnp
from jax import lax
from jax.experimental import pallas as pl
from jax.experimental.pallas import tpu as pltpu
from jax.experimental.pallas import tpu_sc as plsc

NC = 2
NS = 16
L = 16

BATCH = 16384
DIM = 8
NW = NC * NS
BPW = BATCH // NW
CHUNKS = BPW * DIM // L


def _body(idx_hbm, table_hbm, scales_hbm, out_hbm, idx_v, rows_v, scales_v,
          sem):
  wid = lax.axis_index("s") * NC + lax.axis_index("c")
  base = wid * BPW
  pltpu.sync_copy(idx_hbm.at[pl.ds(base, BPW)], idx_v)
  pltpu.sync_copy(scales_hbm, scales_v)
  gather = pltpu.async_copy(table_hbm.at[idx_v], rows_v, sem)
  s = scales_v[...]
  lane = lax.iota(jnp.int32, L)
  row0 = lane >> 3
  col = lane & 7
  gather.wait()

  def mul_step(i, _):
    row = row0 + 2 * i
    v = plsc.load_gather(rows_v, [row, col])
    plsc.store_scatter(rows_v, [row, col], v * s)
    return 0

  lax.fori_loop(0, BPW // 2, mul_step, 0)
  pltpu.sync_copy(rows_v, out_hbm.at[pl.ds(base, BPW)])


@jax.jit
def _run(point_id, cffs_scaled, scales16):
  mesh = plsc.VectorSubcoreMesh(
      core_axis_name="c", subcore_axis_name="s", num_cores=NC,
      num_subcores=NS)
  return pl.kernel(
      _body,
      out_type=jax.ShapeDtypeStruct((BATCH, DIM), jnp.float32),
      mesh=mesh,
      scratch_types=[
          pltpu.VMEM((BPW,), jnp.int32),
          pltpu.VMEM((BPW, DIM), jnp.float32),
          pltpu.VMEM((L,), jnp.float32),
          pltpu.SemaphoreType.DMA,
      ],
      compiler_params=pltpu.CompilerParams(
          needs_layout_passes=False, use_tc_tiling_on_sc=False),
  )(point_id, cffs_scaled, scales16)


def kernel(point_id, cffs_scaled, cff_scales):
  scales16 = jnp.tile(cff_scales, 2)
  return _run(point_id.astype(jnp.int32), cffs_scaled, scales16)

# --- scband reference (transcript-rebuilt; emitter-appended) ---
"""Pipeline reference for scband-cffembedding-model-4458176053907 (READ-ONLY COPY).

The authoritative reference and input builder live on the scoring server;
editing this copy changes nothing except your own understanding.
"""

import jax, jax.numpy as jnp
import numpy as np

N_POINTS = 1000000
BATCH = 16384

def setup_inputs(seed: int = 0) -> dict:
    key = jax.random.key(seed)
    k1, k2 = jax.random.split(key)
    point_id = jax.random.randint(k1, (BATCH,), 0, N_POINTS, dtype=jnp.int64 if jax.config.jax_enable_x64 else jnp.int32)
    # learned parameter: cffs_scaled, init 0.05 * randn
    cffs_scaled = 0.05 * jax.random.normal(k2, (N_POINTS, 8), dtype=jnp.float32)
    # buffer: cff_scales
    cff_scales = jnp.asarray([1.0, 0.5, 2.0, 1.5, 0.8, 1.2, 0.3, 2.5], dtype=jnp.float32)
    return {"point_id": point_id, "cffs_scaled": cffs_scaled, "cff_scales": cff_scales}

def reference(point_id, cffs_scaled, cff_scales):
    # c = self.cffs_scaled[point_id]; return c * self.cff_scales
    c = jnp.take(cffs_scaled, point_id, axis=0)
    return c * cff_scales

if __name__ == "__main__":
    import jax
    _d = setup_inputs()
    print(jax.jit(kernel)(*tuple(_d.values())))

</pallas_src>

<mosaic_0001>
#map = affine_map<(d0, d1) -> (0)>
#map1 = affine_map<(d0, d1) -> (0, 0)>
module attributes {stable_mosaic.version = 14 : i64} {
  func.func @_body(%arg0: i32, %arg1: i32, %arg2: memref<16384xi32, #tpu.memory_space<hbm>>, %arg3: memref<1000000x8xf32, #tpu.memory_space<hbm>>, %arg4: memref<16xf32, #tpu.memory_space<hbm>>, %arg5: memref<16384x8xf32, #tpu.memory_space<hbm>>, %arg6: memref<512xi32, #tpu.memory_space<vmem>>, %arg7: memref<512x8xf32, #tpu.memory_space<vmem>>, %arg8: memref<16xf32, #tpu.memory_space<vmem>>, %arg9: memref<!tpu.dma_semaphore, #tpu.memory_space<semaphore_mem>>) attributes {dimension_semantics = [#tpu.dimension_semantics<core_parallel>, #tpu.dimension_semantics<subcore_parallel>], iteration_bounds = array<i64: 2, 16>, scalar_prefetch = 0 : i64, scratch_operands = 4 : i64, tpu.core_type = #tpu.core_type<sc_vector_subcore>, window_params = [{transform_indices = #map}, {transform_indices = #map1}, {transform_indices = #map}, {transform_indices = #map1}]} {
    %mul3A = arith.constant 2 : i32
    %mul3A_0 = arith.muli %arg1, %mul3A : i32
    %add3A = arith.addi %mul3A_0, %arg0 : i32
    %mul3A_1 = arith.constant 512 : i32
    %mul3A_2 = arith.muli %add3A, %mul3A_1 : i32
    "tpu.region"() ({
      %run_scoped3A = tpu.sem_alloc : memref<!tpu.dma_semaphore, #tpu.memory_space<semaphore_mem>>
      %dma_start3A_18 = tpu.memref_slice %arg2[%mul3A_2] : memref<16384xi32, #tpu.memory_space<hbm>> -> memref<512xi32, #tpu.memory_space<hbm>>
      %dma_start3A_19 = tpu.memref_slice %arg2[%mul3A_2] : memref<16384xi32, #tpu.memory_space<hbm>> -> memref<512xi32, #tpu.memory_space<hbm>>
      tpu.enqueue_dma source(%dma_start3A_19 : memref<512xi32, #tpu.memory_space<hbm>>) target(%arg6 : memref<512xi32, #tpu.memory_space<vmem>>) target_semaphore(%run_scoped3A : memref<!tpu.dma_semaphore, #tpu.memory_space<semaphore_mem>>)
      %dma_wait3A_20 = tpu.memref_slice %arg2[%mul3A_2] : memref<16384xi32, #tpu.memory_space<hbm>> -> memref<512xi32, #tpu.memory_space<hbm>>
      %dma_wait3A_21 = tpu.memref_slice %arg2[%mul3A_2] : memref<16384xi32, #tpu.memory_space<hbm>> -> memref<512xi32, #tpu.memory_space<hbm>>
      tpu.wait_dma2 semaphore(%run_scoped3A : memref<!tpu.dma_semaphore, #tpu.memory_space<semaphore_mem>>) src(%dma_wait3A_21 : memref<512xi32, #tpu.memory_space<hbm>>) dst(%arg6 : memref<512xi32, #tpu.memory_space<vmem>>)
      tpu.yield
    }) : () -> ()
    "tpu.region"() ({
      %run_scoped3A = tpu.sem_alloc : memref<!tpu.dma_semaphore, #tpu.memory_space<semaphore_mem>>
      tpu.enqueue_dma source(%arg4 : memref<16xf32, #tpu.memory_space<hbm>>) target(%arg8 : memref<16xf32, #tpu.memory_space<vmem>>) target_semaphore(%run_scoped3A : memref<!tpu.dma_semaphore, #tpu.memory_space<semaphore_mem>>)
      tpu.wait_dma2 semaphore(%run_scoped3A : memref<!tpu.dma_semaphore, #tpu.memory_space<semaphore_mem>>) src(%arg4 : memref<16xf32, #tpu.memory_space<hbm>>) dst(%arg8 : memref<16xf32, #tpu.memory_space<vmem>>)
      tpu.yield
    }) : () -> ()
    %dma_start3A = arith.constant 0 : i32
    %dma_start3A_3 = arith.constant 0 : i32
    %dma_start3A_4 = tpu.memref_slice %arg3[%dma_start3A, %dma_start3A_3] : memref<1000000x8xf32, #tpu.memory_space<hbm>> -> memref<1000000x8xf32, #tpu.memory_space<hbm>>
    tpu.enqueue_indirect_dma source(%dma_start3A_4 : memref<1000000x8xf32, #tpu.memory_space<hbm>>) target(%arg7 : memref<512x8xf32, #tpu.memory_space<vmem>>) offsets(%arg6 : memref<512xi32, #tpu.memory_space<vmem>>) semaphore(%arg9 : memref<!tpu.dma_semaphore, #tpu.memory_space<semaphore_mem>>)
    %get3A = arith.constant 0 : index
    %get3A_5 = tpu.vector_load %arg8[%get3A] {strides = array<i32>} : memref<16xf32, #tpu.memory_space<vmem>>, vector<16xf32>,
    %iota3A = tpu.iota {dimensions = array<i32: 0>} : vector<16xi32>
    %shift_right_arithmetic3A = arith.constant 3 : i32
    %shift_right_arithmetic3A_6 = vector.broadcast %shift_right_arithmetic3A : i32 to vector<16xi32>
    %shift_right_arithmetic3A_7 = arith.shrsi %iota3A, %shift_right_arithmetic3A_6 : vector<16xi32>
    %and3A = arith.constant 7 : i32
    %and3A_8 = vector.broadcast %and3A : i32 to vector<16xi32>
    %and3A_9 = arith.andi %iota3A, %and3A_8 : vector<16xi32>
    %dma_wait3A = arith.constant 0 : i32
    %dma_wait3A_10 = arith.constant 0 : i32
    %dma_wait3A_11 = tpu.memref_slice %arg3[%dma_wait3A, %dma_wait3A_10] : memref<1000000x8xf32, #tpu.memory_space<hbm>> -> memref<1000000x8xf32, #tpu.memory_space<hbm>>
    tpu.wait_indirect_dma semaphore(%arg9 : memref<!tpu.dma_semaphore, #tpu.memory_space<semaphore_mem>>) src(%dma_wait3A_11 : memref<1000000x8xf32, #tpu.memory_space<hbm>>) dst(%arg7 : memref<512x8xf32, #tpu.memory_space<vmem>>)
    %scan3A = arith.constant 0 : i32
    %scan3A_12 = arith.constant 0 : i32
    %scan3A_13 = arith.constant 256 : i32
    %scan3A_14 = arith.addi %scan3A_12, %scan3A_13 : i32
    %scan3A_15 = arith.constant 1 : i32
    %scan3A_16 = scf.for %scan3A_18 = %scan3A_12 to %scan3A_14 step %scan3A_15 iter_args(%scan3A_19 = %scan3A) -> (i32)  : i32 {
      %mul3A_20 = arith.constant 2 : i32
      %mul3A_21 = arith.muli %mul3A_20, %scan3A_18 : i32
      %add3A_22 = vector.broadcast %mul3A_21 : i32 to vector<16xi32>
      %add3A_23 = arith.addi %shift_right_arithmetic3A_7, %add3A_22 : vector<16xi32>
      %gather3A = tpu.vector_load_idx %arg7[%add3A_23, %and3A_9] : memref<512x8xf32, #tpu.memory_space<vmem>>[vector<16xi32>, vector<16xi32>], vector<16xf32>,
      %mul3A_24 = arith.mulf %gather3A, %get3A_5 : vector<16xf32>
      tpu.vector_store_idx %arg7[%add3A_23, %and3A_9], %mul3A_24 : memref<512x8xf32, #tpu.memory_space<vmem>>[vector<16xi32>, vector<16xi32>], vector<16xf32>,
      %scan3A_25 = arith.constant 0 : i32
      scf.yield %scan3A_25 : i32
    }
    %scan3A_17 = arith.constant 256 : i32
    "tpu.region"() ({
      %run_scoped3A = tpu.sem_alloc : memref<!tpu.dma_semaphore, #tpu.memory_space<semaphore_mem>>
      %dma_start3A_18 = arith.constant 0 : i32
      %dma_start3A_19 = tpu.memref_slice %arg5[%mul3A_2, %dma_start3A_18] : memref<16384x8xf32, #tpu.memory_space<hbm>> -> memref<512x8xf32, #tpu.memory_space<hbm>>
      %dma_start3A_20 = arith.constant 0 : i32
      %dma_start3A_21 = tpu.memref_slice %arg5[%mul3A_2, %dma_start3A_20] : memref<16384x8xf32, #tpu.memory_space<hbm>> -> memref<512x8xf32, #tpu.memory_space<hbm>>
      tpu.enqueue_dma source(%arg7 : memref<512x8xf32, #tpu.memory_space<vmem>>) target(%dma_start3A_21 : memref<512x8xf32, #tpu.memory_space<hbm>>) target_semaphore(%run_scoped3A : memref<!tpu.dma_semaphore, #tpu.memory_space<semaphore_mem>>)
      %dma_wait3A_22 = arith.constant 0 : i32
      %dma_wait3A_23 = tpu.memref_slice %arg5[%mul3A_2, %dma_wait3A_22] : memref<16384x8xf32, #tpu.memory_space<hbm>> -> memref<512x8xf32, #tpu.memory_space<hbm>>
      %dma_wait3A_24 = arith.constant 0 : i32
      %dma_wait3A_25 = tpu.memref_slice %arg5[%mul3A_2, %dma_wait3A_24] : memref<16384x8xf32, #tpu.memory_space<hbm>> -> memref<512x8xf32, #tpu.memory_space<hbm>>
      tpu.wait_dma2 semaphore(%run_scoped3A : memref<!tpu.dma_semaphore, #tpu.memory_space<semaphore_mem>>) src(%arg7 : memref<512x8xf32, #tpu.memory_space<vmem>>) dst(%dma_wait3A_25 : memref<512x8xf32, #tpu.memory_space<hbm>>)
      tpu.yield
    }) : () -> ()
    return
  }
}

</mosaic_0001>

<sc_bundles>
// kernel: _run.3.cloned.1.call-start
scs
__scs_entry_jumppad:
0x0: {  	(pc) =	sbr.rel $0x88, $3  }
0x1: {  	(tag) =	ssettag $0x0;
	lr =	simm.s32 $0x1  }
0x2: {  	[smem:$0x3F9E] =	sst lr;
	_ =	strace $0xD0000000  }
0x3: {  	_ = 	snop  }
0x4: {  	_ = 	snop  }
0x5: {  	_ = 	snop  }
0x6: {  	_ = 	snop  }
0x7: {  	_ = 	snop  }
__scs_overlays_trampoline_lowered:
0x8: {  	[smem:$0x3FAD] =	sst s0  }
0x9: {  	[smem:$0x3FAE] =	sst s1  }
0xa: {  	[smem:$0x3FAF] =	sst s2  }
0xb: {  	[smem:$0x3FB0] =	sst s3  }
0xc: {  	[smem:$0x3FB1] =	sst s4  }
0xd: {  	[smem:$0x3FB2] =	sst s5  }
0xe: {  	[smem:$0x3FB3] =	sst s6  }
0xf: {  	[smem:$0x3FB4] =	sst s7  }
0x10: {  	[smem:$0x3FB5] =	sst s8  }
0x11: {  	[smem:$0x3FB6] =	sst s9;
	s0 =	simm.s32 @!p0 $0x0  }
0x12: {  	s1 =	sld [smem:$0x3F9C];
	s0 =	simm.s32 @p0 $0x1  }
0x13: {  	[smem:$0x3FB7] =	sst s0;
	s0 =	simm.s32 @!p1 $0x0  }
0x14: {  	s2 =	sld [smem:$0x3F9B];
	s0 =	simm.s32 @p1 $0x1  }
0x15: {  	[smem:$0x3FB8] =	sst s0;
	s0 =	simm.s32 @!p2 $0x0  }
0x16: {  	s3 =	sld [smem:$0x3FDB];
	s0 =	simm.s32 @p2 $0x1  }
0x17: {  	s4 =	simm.s32 $0x1BF5;
	[smem:$0x3FBA] =	sst s0  }
0x18: {  	s0 =	sld [smem:$0x3F9D];
	_ =	swait.ge [sflag:s4], $0x0  }
0x19: {  	s7 =	sld [smem:$0x3F9E]  }
0x1a: {  	s8 =	sadd.s32 $0xFFFFE003, lr  }
0x1b: {  	s9 =	sadd.s32 $0xFFFFFEF7, lr;
	s5 =	simm.s32 $0xFFFFFFFF;
	p2 =	slt.u32 s8, $0xFFFFF086  }
0x1c: {  	p1 =	slt.u32 s9, $0xF7A;
	s5 =	simm.s32 @!p2 $0x0  }
0x1d: {  	s5 =	simm.s32 @p1 $0x1;
	p0 =	seq.s32 s7, s2  }
0x1e: {  	s7 =	smul.u32 @!p0 $0xF7A, s2;
	p2 =	seq.s32 @!p0 s5, $0x0  }
0x1f: {  	s9 =	smul.u32 $0xF7A, s1;
	s8 =	simm.s32 @!p0 $0x1BF5;
	p2 =	por !p2, p0  }
0x20: {  	[sflag:s8] =	ssyncset.s32 @!p0 $0xFFFFF086;
	s6 =	sadd.s32 @!p0 s3, s7;
	s7 =	simm.s32 @!p0 $0x108  }
0x21: {  	s3 =	sadd.s32 s3, s9;
	s6 =	sadd.s32 @!p0 $0x88, s6;
	s7 =	simm.s32 @p2 $0x1082  }
0x22: {  	[simem:s7], [sflag:s8] =	dma.local @!p0 [hbm:s6], $0xF7A  }
0x23: {  	s9 =	sor.u32 $0xD0000000, s2;
	s6 =	simm.s32 $0x108;
	_ =	swait.ge @!p0 [sflag:s8], $0x0  }
0x24: {  	s3 =	sadd.s32 $0x88, s3;
	s6 =	simm.s32 @!p1 $0x1082;
	[sflag:s4] =	ssyncset.s32 $0xFFFFF086  }
0x25: {  	[simem:s6], [sflag:s4] =	dma.local [hbm:s3], $0xF7A  }
0x26: {  	[smem:$0x3F9E] =	sst s1;
	(tag) =	ssettag s2;
	_ =	strace s9  }
0x27: {  	s1 =	sld [smem:$0x3FAE]  }
0x28: {  	s2 =	sld [smem:$0x3FAF]  }
0x29: {  	s4 =	sld [smem:$0x3FB1]  }
0x2a: {  	p0 =	seq.s32 s5, $0x0;
	s5 =	sld [smem:$0x3FB2]  }
0x2b: {  	s6 =	sld [smem:$0x3FB3]  }
0x2c: {  	s7 =	sld [smem:$0x3FB4]  }
0x2d: {  	s3 =	simm.s32 $0x108;
	s8 =	sld [smem:$0x3FB5]  }
0x2e: {  	s3 =	simm.s32 @!p0 $0x1082;
	s9 =	sld [smem:$0x3FB6]  }
0x2f: {  	lr =	sadd.s32 s0, s3;
	s0 =	sld [smem:$0x3FAD]  }
0x30: {  	s3 =	sld [smem:$0x3FB0]  }
0x31: {  	[smem:$0x3FB9] =	sst s10  }
0x32: {  	s10 =	sld [smem:$0x3FB7];
	_ =	sdelay $0x3  }
0x33: {  	p0 =	seq.s32 s10, $0x1;
	s10 =	sld [smem:$0x3FB9];
	_ =	sdelay $0x3  }
0x34: {  	[smem:$0x3FB9] =	sst s10  }
0x35: {  	s10 =	sld [smem:$0x3FB8];
	_ =	sdelay $0x3  }
0x36: {  	p1 =	seq.s32 s10, $0x1;
	s10 =	sld [smem:$0x3FB9];
	_ =	sdelay $0x3  }
0x37: {  	[smem:$0x3FB9] =	sst s10  }
0x38: {  	s10 =	sld [smem:$0x3FBA]  }
0x39: {  	_ = 	snop;
	(pc) =	sbr.ind lr, $3  }
0x3a: {  	_ = 	snop  }
0x3b: {  	_ = 	snop  }
0x3c: {  	p2 =	seq.s32 s10, $0x1;
	s10 =	sld [smem:$0x3FB9]  }
0x3d: {  	_ =	shalt  }
0x3e: {  	_ =	shalt  }
0x3f: {  	_ =	shalt  }
0x40: {  	_ =	shalt  }
0x41: {  	_ =	shalt  }
0x42: {  	_ =	shalt  }
0x43: {  	_ =	shalt  }
0x44: {  	_ =	shalt  }
0x45: {  	_ =	shalt  }
0x46: {  	_ =	shalt  }
0x47: {  	_ =	shalt  }
0x48: {  	_ =	shalt  }
0x49: {  	_ =	shalt  }
0x4a: {  	_ =	shalt  }
0x4b: {  	_ =	shalt  }
0x4c: {  	_ =	shalt  }
0x4d: {  	_ =	shalt  }
0x4e: {  	_ =	shalt  }
0x4f: {  	_ =	shalt  }
0x50: {  	_ =	shalt  }
0x51: {  	_ =	shalt  }
0x52: {  	_ =	shalt  }
0x53: {  	_ =	shalt  }
0x54: {  	_ =	shalt  }
0x55: {  	_ =	shalt  }
0x56: {  	_ =	shalt  }
0x57: {  	_ =	shalt  }
0x58: {  	_ =	shalt  }
0x59: {  	_ =	shalt  }
0x5a: {  	_ =	shalt  }
0x5b: {  	_ =	shalt  }
0x5c: {  	_ =	shalt  }
0x5d: {  	_ =	shalt  }
0x5e: {  	_ =	shalt  }
0x5f: {  	_ =	shalt  }
0x60: {  	_ =	shalt  }
0x61: {  	_ =	shalt  }
0x62: {  	_ =	shalt  }
0x63: {  	_ =	shalt  }
0x64: {  	_ =	shalt  }
0x65: {  	_ =	shalt  }
0x66: {  	_ =	shalt  }
0x67: {  	_ =	shalt  }
0x68: {  	_ =	shalt  }
0x69: {  	_ =	shalt  }
0x6a: {  	_ =	shalt  }
0x6b: {  	_ =	shalt  }
0x6c: {  	_ =	shalt  }
0x6d: {  	_ =	shalt  }
0x6e: {  	_ =	shalt  }
0x6f: {  	_ =	shalt  }
0x70: {  	_ =	shalt  }
0x71: {  	_ =	shalt  }
0x72: {  	_ =	shalt  }
0x73: {  	_ =	shalt  }
0x74: {  	_ =	shalt  }
0x75: {  	_ =	shalt  }
0x76: {  	_ =	shalt  }
0x77: {  	_ =	shalt  }
0x78: {  	_ =	shalt  }
0x79: {  	_ =	shalt  }
0x7a: {  	_ =	shalt  }
0x7b: {  	_ =	shalt  }
0x7c: {  	_ =	shalt  }
0x7d: {  	_ =	shalt  }
0x7e: {  	_ =	shalt  }
0x7f: {  	_ =	shalt  }
0x80: {  	_ =	shalt  }
0x81: {  	_ =	shalt  }
0x82: {  	_ =	shalt  }
0x83: {  	_ =	shalt  }
0x84: {  	_ =	shalt  }
0x85: {  	_ =	shalt  }
0x86: {  	_ =	shalt  }
0x87: {  	_ =	shalt  }
.Lfunc_end0:
.L_simem_size_0:
called_computation_lowered:
.L_overlay_start_0:
0x88: {  	s2 =	sld [smem:$0x3FD9]  }
0x89: {  	s3 =	sld [smem:$0x3FFE];
	_ =	sdelay $0x1  }
0x8a: {  	s1 =	srdreg.scid  }
0x8b: {  	s0 =	sand.u32 $0x1, s1  }
0x8c: {  	s17 =	sshll.u32 s0, $0xA;
	s2 =	sadd.s32 s3, s2  }
0x8d: {  	s2 =	sadd.s32 s2, s17  }
0x8e: {  	[smem:$0x3FC5] =	sst s2  }
0x8f: {  	_ = 	snop  }
0x90: {  	s2 =	sld [smem:$0x3FC9]  }
0x91: {  	s18 =	sld [smem:$0x3FC7]  }
0x92: {  	s4 =	sld [smem:$0x3FD0];
	(tm) =	ssettm $0x1  }
0x93: {  	s5 =	sld [smem:$0x3FFB];
	_ =	sdelay $0x3  }
0x94: {  	_ =	strace s5  }
0x95: {  	s5 =	sld [smem:$0x3FFC];
	_ =	sdelay $0x3  }
0x96: {  	_ =	strace s5  }
0x97: {  	s5 =	sld [smem:$0x3FFD];
	_ =	sdelay $0x3  }
0x98: {  	_ =	strace s5  }
0x99: {  	_ =	strace $0x8FFFFFFF  }
0x9a: {  	s19 =	sld [smem:$0x3FDB];
	_ =	sdelay $0x1  }
0x9b: {  	s6 =	simm.s32 $_scs_section_size  }
0x9c: {  	s7 =	simm.s32 $_size__tile_overlayer_lowered;
	s8 =	simm.s32 $_tile_overlayer_lowered  }
0x9d: {  	s22 =	simm.s32 $0x1BFF;
	s21 =	sshll.u32 s8, $0x1;
	s5 =	sadd.s32 s6, s19  }
0x9e: {  	s9 =	simm.s32 $0x0;
	s20 =	sshll.u32 s7, $0x1;
	s7 =	sadd.s32 s21, s5  }
0x9f: {  	[timem:s9], [sflag:s22] =	dma.local [hbm:s7], s20  }
0xa0: {  	_ =	swait.ge [sflag:s22], s20  }
0xa1: {  	s6 =	ssub.s32 $0x0, s20;
	[sflag:s22] =	ssyncset.done $0x0  }
0xa2: {  	[sflag:s22] =	ssyncadd.s32 s6;
	_ =	sdelay $0x1  }
0xa3: {  	s23 =	simm.s32 $0x1B8B  }
0xa4: {  	_ =	swait.ge [sflag:s23], $0x1  }
0xa5: {  	[sflag:s23] =	ssyncset.done $0x0  }
0xa6: {  	s25 =	simm.s32 $0x1B8E;
	s24 =	sld [smem:$0x3FFE];
	[sflag:s23] =	ssyncadd.s32 $0xFFFFFFFF  }
0xa7: {  	s26 =	simm.s32 $execute0_lowered;
	[smem:$0x3FD2] =	sst s25  }
0xa8: {  	s7 =	sshll.u32 s26, $0x1;
	_ =	strace $0x80000046;
	[dreg:$0x1] =	wrdreg $0xFFFFFFFF  }
0xa9: {  	s28 =	simm.s32 $_size_execute0_lowered;
	s5 =	sadd.s32 s5, s7;
	[dreg:$0x0] =	wrdreg $0x0  }
0xaa: {  	s7 =	sshll.u32 s28, $0x1;
	[dreg:$0x2] =	wrdreg s5  }
0xab: {  	[dreg:$0x3] =	wrdreg s7  }
0xac: {  	[dreg:$0x4] =	wrdreg $0xC0  }
0xad: {  	_ =	task [dreg:s9], $0x5FFFF  }
0xae: {  	[dreg:$0x1] =	wrdreg $0xFFFFFFFF  }
0xaf: {  	[dreg:$0x0] =	wrdreg $0x60  }
0xb0: {  	[dreg:$0x2] =	wrdreg s2  }
0xb1: {  	[dreg:$0x3] =	wrdreg s24  }
0xb2: {  	[dreg:$0x4] =	wrdreg s18  }
0xb3: {  	[dreg:$0x5] =	wrdreg s4  }
0xb4: {  	[dreg:$0x6] =	wrdreg $0x9  }
0xb5: {  	_ =	task.clear_ibuf [dreg:s9], $0x7FFFF;
	_ =	strace $0x90000046  }
0xb6: {  	s29 =	simm.s32 $0x9;
	_ =	strace $0x80000048  }
0xb7: {  	_ =	swait.ge [sflag:s29], $0x1  }
0xb8: {  	[sflag:s29] =	ssyncadd.s32 $0xFFFFFFFF  }
0xb9: {  	_ =	strace $0x90000048  }
0xba: {  	_ =	sfence  }
0xbb: {  	s30 =	sld [smem:$0x0];
	_ =	sdelay $0x2  }
0xbc: {  	s31 =	sshll.u32 s1, $0xD;
	s1 =	sshrl.u32 s1, $0x2  }
0xbd: {  	s3 =	sand.u32 $0x4000, s31;
	s1 =	sadd.s32 s1, s30  }
0xbe: {  	s0 =	sor.u32 s3, s0;
	s1 =	sshll.u32 s1, $0x11  }
0xbf: {  	s0 =	sor.u32 s1, s0  }
0xc0: {  	s0 =	sadd.s32 $0x8F2B, s0  }
0xc1: {  	[sflag:s0] =	ssyncadd.remote.s32 $0x1  }
0xc2: {  	_ =	sfence.sel $0xFFFF  }
0xc3: {  	[dreg:$0x0] =	wrdreg $0xFFFFFFFF;
	(pc) =	sbr.abs _section_cstart, $3  }
0xc4: {  	[dreg:$0x1] =	wrdreg $0xFFFFFFFF  }
0xc5: {  	_ =	task.clear_ibuf [dreg:s9], $0x2FFFF;
	_ =	strace $0x9FFFFFFF  }
0xc6: {  	(tm) =	ssettm $0x7FFFFFFF  }
0xc7: {  	_ =	shalt  }
tec
execute0_lowered:
.L_overlay_start_1:
0x0: {  	(tag) =	ssettag $0x1  }
0x1: {  	s5 =	rddreg [dreg:$0x0]  }
0x2: {  	s4 =	rddreg [dreg:$0x1]  }
0x3: {  	s1 =	rddreg [dreg:$0x2]  }
0x4: {  	s6 =	rddreg [dreg:$0x3]  }
0x5: {  	s0 =	rddreg [dreg:$0x4];
	s7 =	srdreg.scid  }
0x6: {  	s3 =	simm.s32 $0x0;
	s2 =	stileid.u32;
	s11 =	simm.s32 $0x1  }
0x7: {  	s12 =	simm.s32 $0x0;
	s7 =	sand.u32 $0x1, s7;
	[smem:$0x7FF] =	sst s3  }
0x8: {  	s8 =	sshll.u32 s2, $0xA;
	s4 =	sadd.s32 $0xF42800, s4;
	s9 =	sshll.u32 s7, $0x9  }
0x9: {  	_ =	strace $0x80000047;
	s7 =	ssub.s32 $0x2, s7;
	s8 =	sor.u32 s9, s8  }
0xa: {  	v1 =	vlaneseq.u32;
	s31 =	sshrl.u32 s7, $0x1;
	s9 =	simm.s32 $0x1200;
	s10 =	sshrl.u32 s8, $0x3  }
0xb: {  	v0 =	vshrl.u32 v1, $0x3;
	s7 =	ssub.s32 s7, s31;
	s6 =	sadd.s32 s6, s8;
	s8 =	simm.s32 $0x2  }
0xc: {  	v1 =	vand.u32 $0x7, v1;
	v0 =	vmul.u32 $0x8, v0;
	s5 =	sadd.s32 s5, s10;
	s7 =	smax.u32 s7, $0x1;
	s10 =	simm.s32 $0x200  }
.LBB2_1:
0xd: {  	[tilespmem:s3], [sflag:$0x2] =	stream.linear.gather [hbm4b:s5+s3], $0x200, $0x38;
	[tilespmem:$0x1210] =	vst v63  }
0xe: {  	_ =	swait.ge [sflag:s8], $0x200  }
0xf: {  	[sflag:s8] =	ssyncset.done $0x0  }
0x10: {  	[sflag:s8] =	ssyncadd.s32 $0xFFFFFE00  }
0x11: {  	v2 =	vmov s3;
	[tilespmem:s9], [sflag:$0x2] =	stream.linear.gather [hbm4b:s1+s3], $0x10, $0x38;
	[tilespmem:$0x1210] =	vst v63  }
0x12: {  	v2 =	vshll.u32 v2, $0x3;
	_ =	swait.ge [sflag:s8], $0x10  }
0x13: {  	v2 =	vor.u32 v0, v2;
	[sflag:s8] =	ssyncset.done $0x0  }
0x14: {  	v3 =	vor.u32 v1, v2;
	[sflag:s8] =	ssyncadd.s32 $0xFFFFFFF0  }
0x15: {  	[tilespmem:s10], [sflag:$0x1] =	stream.indirect.gather [hbm4b:s4+s10], $0x8, s3, s10, $0xb8;
	[tilespmem:$0x1210] =	vst v63  }
0x16: {  	v2 =	vld [tilespmem:$0x1200];
	_ =	swait.ge [sflag:s11], $0x1000  }
0x17: {  	[sflag:s11] =	ssyncset.done $0x0  }
0x18: {  	s13 =	simm.s32 $0x2;
	[sflag:s11] =	ssyncadd.s32 $0xFFFFF000  }
0x19: {  	v5 =	vmov s13;
	s13 =	simm.s32 $0x4;
	v4 =	vld.idx.msk [tilespmem:v3+s10+$0x0], $0xffff  }
.LBB2_2:
0x1a: {  	p0 =	sne.s32 s13, $0x1FE;
	v5 =	vshll.u32 v5, $0x3  }
0x1b: {  	v5 =	vor.u32 v0, v5  }
0x1c: {  	v5 =	vor.u32 v1, v5;
	_ =	sdelay $0x1  }
.Ltmp0:
0x1d: {  	v4 =	vmul.f32 v4, v2;
	(pc) =	sbr.rel @p0 .LBB2_2-.Ltmp0, $4  }
0x1e: {  	_ = 	snop  }
0x1f: {  	[tilespmem:v3+s10+$0x0] =	vst.idx.msk $0xffff, v4;
	v3 =	vmov v5  }
0x20: {  	v4 =	vld.idx.msk [tilespmem:v5+s10+$0x0], $0xffff  }
0x21: {  	v5 =	vmov s13;
	s13 =	sadd.s32 $0x2, s13  }
0x22: {  	v5 =	vshll.u32 v5, $0x3  }
0x23: {  	v5 =	vor.u32 v0, v5  }
0x24: {  	v5 =	vor.u32 v1, v5;
	_ =	sdelay $0x1  }
0x25: {  	v4 =	vmul.f32 v4, v2;
	_ =	sdelay $0x1  }
0x26: {  	[tilespmem:v3+s10+$0x0] =	vst.idx.msk $0xffff, v4  }
0x27: {  	v3 =	vld.idx.msk [tilespmem:v5+s10+$0x0], $0xffff;
	_ =	sdelay $0x4  }
0x28: {  	s12 =	sadd.s32 $0x1, s12;
	v2 =	vmul.f32 v3, v2  }
0x29: {  	p0 =	sne.s32 s12, s7  }
.Ltmp1:
0x2a: {  	[tilespmem:v5+s10+$0x0] =	vst.idx.msk $0xffff, v2;
	(pc) =	sbr.rel @p0 .LBB2_1-.Ltmp1, $4  }
0x2b: {  	[hbm4b:s6+s3] =	stream.linear.scatter [tilespmem:s10], [sflag:$0x2], $0x1000, $0x38;
	[tilespmem:$0x1210] =	vst v63  }
0x2c: {  	_ =	swait.ge [sflag:s8], $0x1000  }
0x2d: {  	[sflag:s8] =	ssyncset.done $0x0  }
0x2e: {  	[sflag:s8] =	ssyncadd.s32 $0xFFFFF000  }
0x2f: {  	_ =	sfence.sel $0x180000  }
0x30: {  	[bflag:$0x0] =	sbarrier.arrive $0xFFFF  }
0x31: {  	p0 =	sne.s32 s2, $0x0;
	_ =	strace $0x90000047  }
0x32: {  	s0 =	sadd.s32 @!p0 $0x100000, s0;
	[bflag:$0x2] =	sbarrier.arrive $0xFFFF  }
0x33: {  	[sflag:s0] =	ssyncadd.tile.s32 @!p0 $0x1;
	_ =	shalt  }
.Lfunc_end2:
_tile_overlayer_lowered:
.L_overlay_start_2:
0x34: {  	(tag) =	ssettag $0x2  }
0x35: {  	s0 =	rddreg [dreg:$0x0];
	s2 =	stileid.u32  }
0x36: {  	s1 =	rddreg [dreg:$0x1];
	p0 =	sne.s32 s2, $0x0  }
0x37: {  	s3 =	rddreg [dreg:$0x2];
	[bflag:$0x3] =	sbarrier.arrive $0xFFFF;
	s2 =	simm.s32 @!p0 $0x1C02  }
0x38: {  	[timem:s3], [sflag:s2] =	dma.local @!p0 [hbm:s0], s1  }
0x39: {  	s0 =	simm.s32 @!p0 $0x2  }
0x3a: {  	_ =	swait.ge @!p0 [sflag:s0], s1  }
0x3b: {  	s1 =	ssub.s32 @!p0 $0x0, s1;
	[sflag:s0] =	ssyncset.done @!p0 $0x0  }
0x3c: {  	[sflag:s0] =	ssyncadd.s32 @!p0 s1  }
0x3d: {  	[bflag:$0x3] =	sbarrier.arrive $0xFFFF  }
0x3e: {  	_ =	shalt  }

</sc_bundles>
